<compile_context>
chip_gen: v7x
topology: tpu7x:2x2x1
jax: 0.10.2.dev20260603
libtpu: 0.0.44.dev20260713+nightly
codegen_flags: <defaults>
</compile_context>

<pallas_src>
import functools

import jax
import jax.numpy as jnp
from jax import lax
from jax.experimental import pallas as pl
from jax.experimental.pallas import tpu as pltpu
from jax.experimental.pallas import tpu_sc as plsc

NBUF = 5
PREFETCH = 3


@functools.lru_cache(maxsize=None)
def _build(n_b: int, n_s: int, vocab: int, dim: int):
    info = plsc.get_sparse_core_info()
    nw = info.num_cores * info.num_subcores
    b_per_w = n_b // nw
    nstep = n_s
    assert n_b % nw == 0 and b_per_w <= 128 and nstep % NBUF == 0

    mesh = plsc.VectorSubcoreMesh(core_axis_name="c", subcore_axis_name="s")

    @functools.partial(
        pl.kernel,
        mesh=mesh,
        out_type=jax.ShapeDtypeStruct((n_s, n_b, dim), jnp.float32),
        scratch_types=(
            [pltpu.VMEM((nstep, b_per_w), jnp.int32)]
            + [pltpu.VMEM((b_per_w, dim), jnp.float32) for _ in range(NBUF)]
            + [pltpu.SemaphoreType.DMA for _ in range(2 * NBUF + 1)]
        ),
    )
    def gather_kernel(x_hbm, w_hbm, out_hbm, idx_v, *rest):
        bufs = rest[:NBUF]
        gsems = rest[NBUF : 2 * NBUF]
        ssems = rest[2 * NBUF : 3 * NBUF]
        xsem = rest[3 * NBUF]
        wid = lax.axis_index("s") * info.num_cores + lax.axis_index("c")
        b0 = wid * b_per_w

        def start_gather(t, b):
            pltpu.async_copy(w_hbm.at[idx_v.at[t]], bufs[b], gsems[b])

        def wait_gather(t, b):
            pltpu.make_async_copy(w_hbm.at[idx_v.at[t]], bufs[b], gsems[b]).wait()

        def start_store(t, b):
            pltpu.async_copy(bufs[b], out_hbm.at[t, pl.ds(b0, b_per_w)], ssems[b])

        def wait_store(t, b):
            pltpu.make_async_copy(
                bufs[b], out_hbm.at[t, pl.ds(b0, b_per_w)], ssems[b]
            ).wait()

        pltpu.sync_copy(
            x_hbm.at[pl.ds(0, PREFETCH), wid], idx_v.at[pl.ds(0, PREFETCH)]
        )
        tail_copy = pltpu.make_async_copy(
            x_hbm.at[pl.ds(PREFETCH, nstep - PREFETCH), wid],
            idx_v.at[pl.ds(PREFETCH, nstep - PREFETCH)],
            xsem,
        )
        tail_copy.start()

        for b in range(PREFETCH):
            start_gather(b, b)

        tail_copy.wait()

        @pl.loop(0, nstep, step=NBUF, unroll=False)
        def _group(g):
            for b in range(NBUF):
                t = g + b
                f = t + PREFETCH
                fb = (b + PREFETCH) % NBUF

                @pl.when(f - NBUF >= 0)
                def _():
                    wait_store(f - NBUF, fb)

                @pl.when(f < nstep)
                def _():
                    start_gather(f, fb)

                wait_gather(t, b)
                start_store(t, b)

        for t in range(nstep - NBUF + PREFETCH, nstep):
            wait_store(t, t % NBUF)

    return gather_kernel, nw, b_per_w


def kernel(x, weight):
    n_b, n_s = x.shape
    vocab, dim = weight.shape
    gather_kernel, nw, b_per_w = _build(n_b, n_s, vocab, dim)
    x_cols = x.T.astype(jnp.int32).reshape(n_s, nw, b_per_w)
    out = gather_kernel(x_cols, weight)
    return out.transpose(1, 0, 2)

# --- scband reference (transcript-rebuilt; emitter-appended) ---
"""Pipeline reference for scband-vocab-parallel-embedding-11304353923404 (READ-ONLY COPY).

The authoritative reference and input builder live on the scoring server;
editing this copy changes nothing except your own understanding.
"""

import jax, jax.numpy as jnp
import numpy as np

NUM_EMBEDDINGS = 100000
EMBEDDING_DIM = 128

def setup_inputs(seed: int = 0) -> dict:
    key = jax.random.key(seed)
    k_idx, k_w = jax.random.split(key)
    x = jax.random.randint(k_idx, (4096, 50), 0, NUM_EMBEDDINGS, dtype=jnp.int64 if jax.config.jax_enable_x64 else jnp.int32)
    weight = jax.random.normal(k_w, (NUM_EMBEDDINGS, EMBEDDING_DIM), dtype=jnp.float32) * 0.02
    return {"x": x, "weight": weight}

def reference(x, weight):
    # Single-rank (tp_size == 1) path of VocabParallelEmbedding:
    # no masking / offset, plain embedding lookup y = F.embedding(x, weight).
    y = jnp.take(weight, x, axis=0)
    return y

if __name__ == "__main__":
    import jax
    _d = setup_inputs()
    print(jax.jit(kernel)(*tuple(_d.values())))

</pallas_src>

<mosaic_0001>
#map = affine_map<(d0, d1) -> (0, 0, 0)>
#map1 = affine_map<(d0, d1) -> (0, 0)>
module attributes {stable_mosaic.version = 14 : i64} {
  func.func @gather_kernel(%arg0: i32, %arg1: i32, %arg2: memref<50x32x128xi32, #tpu.memory_space<hbm>>, %arg3: memref<100000x128xf32, #tpu.memory_space<hbm>>, %arg4: memref<50x4096x128xf32, #tpu.memory_space<hbm>>, %arg5: memref<50x128xi32, #tpu.memory_space<vmem>>, %arg6: memref<128x128xf32, #tpu.memory_space<vmem>>, %arg7: memref<128x128xf32, #tpu.memory_space<vmem>>, %arg8: memref<128x128xf32, #tpu.memory_space<vmem>>, %arg9: memref<128x128xf32, #tpu.memory_space<vmem>>, %arg10: memref<128x128xf32, #tpu.memory_space<vmem>>, %arg11: memref<!tpu.dma_semaphore, #tpu.memory_space<semaphore_mem>>, %arg12: memref<!tpu.dma_semaphore, #tpu.memory_space<semaphore_mem>>, %arg13: memref<!tpu.dma_semaphore, #tpu.memory_space<semaphore_mem>>, %arg14: memref<!tpu.dma_semaphore, #tpu.memory_space<semaphore_mem>>, %arg15: memref<!tpu.dma_semaphore, #tpu.memory_space<semaphore_mem>>, %arg16: memref<!tpu.dma_semaphore, #tpu.memory_space<semaphore_mem>>, %arg17: memref<!tpu.dma_semaphore, #tpu.memory_space<semaphore_mem>>, %arg18: memref<!tpu.dma_semaphore, #tpu.memory_space<semaphore_mem>>, %arg19: memref<!tpu.dma_semaphore, #tpu.memory_space<semaphore_mem>>, %arg20: memref<!tpu.dma_semaphore, #tpu.memory_space<semaphore_mem>>, %arg21: memref<!tpu.dma_semaphore, #tpu.memory_space<semaphore_mem>>) attributes {dimension_semantics = [#tpu.dimension_semantics<core_parallel>, #tpu.dimension_semantics<subcore_parallel>], iteration_bounds = array<i64: 2, 16>, scalar_prefetch = 0 : i64, scratch_operands = 17 : i64, tpu.core_type = #tpu.core_type<sc_vector_subcore>, window_params = [{transform_indices = #map}, {transform_indices = #map1}, {transform_indices = #map}]} {
    %mul3A = arith.constant 2 : i32
    %mul3A_0 = arith.muli %arg1, %mul3A : i32
    %add3A = arith.addi %mul3A_0, %arg0 : i32
    %mul3A_1 = arith.constant 128 : i32
    %mul3A_2 = arith.muli %add3A, %mul3A_1 : i32
    "tpu.region"() ({
      %run_scoped3A = tpu.sem_alloc : memref<!tpu.dma_semaphore, #tpu.memory_space<semaphore_mem>>
      %dma_start3A_68 = arith.constant 0 : i32
      %dma_start3A_69 = arith.constant 0 : i32
      %dma_start3A_70 = tpu.memref_slice %arg5[%dma_start3A_68, %dma_start3A_69] : memref<50x128xi32, #tpu.memory_space<vmem>> -> memref<3x128xi32, #tpu.memory_space<vmem>>
      %dma_start3A_71 = arith.constant 0 : i32
      %dma_start3A_72 = arith.constant 0 : i32
      %dma_start3A_73 = tpu.memref_slice %arg2[%dma_start3A_71, %add3A, %dma_start3A_72] : memref<50x32x128xi32, #tpu.memory_space<hbm>> -> memref<3x1x128xi32, #tpu.memory_space<hbm>>
      %dma_start3A_74 = tpu.memref_squeeze %dma_start3A_73 : memref<3x1x128xi32, #tpu.memory_space<hbm>> -> memref<3x128xi32, #tpu.memory_space<hbm>>
      %dma_start3A_75 = arith.constant 0 : i32
      %dma_start3A_76 = arith.constant 0 : i32
      %dma_start3A_77 = tpu.memref_slice %arg5[%dma_start3A_75, %dma_start3A_76] : memref<50x128xi32, #tpu.memory_space<vmem>> -> memref<3x128xi32, #tpu.memory_space<vmem>>
      %dma_start3A_78 = arith.constant 0 : i32
      %dma_start3A_79 = arith.constant 0 : i32
      %dma_start3A_80 = tpu.memref_slice %arg2[%dma_start3A_78, %add3A, %dma_start3A_79] : memref<50x32x128xi32, #tpu.memory_space<hbm>> -> memref<3x1x128xi32, #tpu.memory_space<hbm>>
      %dma_start3A_81 = tpu.memref_squeeze %dma_start3A_80 : memref<3x1x128xi32, #tpu.memory_space<hbm>> -> memref<3x128xi32, #tpu.memory_space<hbm>>
      tpu.enqueue_dma source(%dma_start3A_81 : memref<3x128xi32, #tpu.memory_space<hbm>>) target(%dma_start3A_77 : memref<3x128xi32, #tpu.memory_space<vmem>>) target_semaphore(%run_scoped3A : memref<!tpu.dma_semaphore, #tpu.memory_space<semaphore_mem>>)
      %dma_wait3A_82 = arith.constant 0 : i32
      %dma_wait3A_83 = arith.constant 0 : i32
      %dma_wait3A_84 = tpu.memref_slice %arg5[%dma_wait3A_82, %dma_wait3A_83] : memref<50x128xi32, #tpu.memory_space<vmem>> -> memref<3x128xi32, #tpu.memory_space<vmem>>
      %dma_wait3A_85 = arith.constant 0 : i32
      %dma_wait3A_86 = arith.constant 0 : i32
      %dma_wait3A_87 = tpu.memref_slice %arg2[%dma_wait3A_85, %add3A, %dma_wait3A_86] : memref<50x32x128xi32, #tpu.memory_space<hbm>> -> memref<3x1x128xi32, #tpu.memory_space<hbm>>
      %dma_wait3A_88 = tpu.memref_squeeze %dma_wait3A_87 : memref<3x1x128xi32, #tpu.memory_space<hbm>> -> memref<3x128xi32, #tpu.memory_space<hbm>>
      %dma_wait3A_89 = arith.constant 0 : i32
      %dma_wait3A_90 = arith.constant 0 : i32
      %dma_wait3A_91 = tpu.memref_slice %arg5[%dma_wait3A_89, %dma_wait3A_90] : memref<50x128xi32, #tpu.memory_space<vmem>> -> memref<3x128xi32, #tpu.memory_space<vmem>>
      %dma_wait3A_92 = arith.constant 0 : i32
      %dma_wait3A_93 = arith.constant 0 : i32
      %dma_wait3A_94 = tpu.memref_slice %arg2[%dma_wait3A_92, %add3A, %dma_wait3A_93] : memref<50x32x128xi32, #tpu.memory_space<hbm>> -> memref<3x1x128xi32, #tpu.memory_space<hbm>>
      %dma_wait3A_95 = tpu.memref_squeeze %dma_wait3A_94 : memref<3x1x128xi32, #tpu.memory_space<hbm>> -> memref<3x128xi32, #tpu.memory_space<hbm>>
      tpu.wait_dma2 semaphore(%run_scoped3A : memref<!tpu.dma_semaphore, #tpu.memory_space<semaphore_mem>>) src(%dma_wait3A_95 : memref<3x128xi32, #tpu.memory_space<hbm>>) dst(%dma_wait3A_91 : memref<3x128xi32, #tpu.memory_space<vmem>>)
      tpu.yield
    }) : () -> ()
    %dma_start3A = arith.constant 3 : i32
    %dma_start3A_3 = arith.constant 0 : i32
    %dma_start3A_4 = tpu.memref_slice %arg5[%dma_start3A, %dma_start3A_3] : memref<50x128xi32, #tpu.memory_space<vmem>> -> memref<47x128xi32, #tpu.memory_space<vmem>>
    %dma_start3A_5 = arith.constant 3 : i32
    %dma_start3A_6 = arith.constant 0 : i32
    %dma_start3A_7 = tpu.memref_slice %arg2[%dma_start3A_5, %add3A, %dma_start3A_6] : memref<50x32x128xi32, #tpu.memory_space<hbm>> -> memref<47x1x128xi32, #tpu.memory_space<hbm>>
    %dma_start3A_8 = tpu.memref_squeeze %dma_start3A_7 : memref<47x1x128xi32, #tpu.memory_space<hbm>> -> memref<47x128xi32, #tpu.memory_space<hbm>>
    %dma_start3A_9 = arith.constant 3 : i32
    %dma_start3A_10 = arith.constant 0 : i32
    %dma_start3A_11 = tpu.memref_slice %arg5[%dma_start3A_9, %dma_start3A_10] : memref<50x128xi32, #tpu.memory_space<vmem>> -> memref<47x128xi32, #tpu.memory_space<vmem>>
    %dma_start3A_12 = arith.constant 3 : i32
    %dma_start3A_13 = arith.constant 0 : i32
    %dma_start3A_14 = tpu.memref_slice %arg2[%dma_start3A_12, %add3A, %dma_start3A_13] : memref<50x32x128xi32, #tpu.memory_space<hbm>> -> memref<47x1x128xi32, #tpu.memory_space<hbm>>
    %dma_start3A_15 = tpu.memref_squeeze %dma_start3A_14 : memref<47x1x128xi32, #tpu.memory_space<hbm>> -> memref<47x128xi32, #tpu.memory_space<hbm>>
    tpu.enqueue_dma source(%dma_start3A_15 : memref<47x128xi32, #tpu.memory_space<hbm>>) target(%dma_start3A_11 : memref<47x128xi32, #tpu.memory_space<vmem>>) target_semaphore(%arg21 : memref<!tpu.dma_semaphore, #tpu.memory_space<semaphore_mem>>)
    %dma_start3A_16 = arith.constant 0 : i32
    %dma_start3A_17 = arith.constant 0 : i32
    %dma_start3A_18 = tpu.memref_slice %arg5[%dma_start3A_16, %dma_start3A_17] : memref<50x128xi32, #tpu.memory_space<vmem>> -> memref<1x128xi32, #tpu.memory_space<vmem>>
    %dma_start3A_19 = tpu.memref_squeeze %dma_start3A_18 : memref<1x128xi32, #tpu.memory_space<vmem>> -> memref<128xi32, #tpu.memory_space<vmem>>
    %dma_start3A_20 = arith.constant 0 : i32
    %dma_start3A_21 = arith.constant 0 : i32
    %dma_start3A_22 = tpu.memref_slice %arg3[%dma_start3A_20, %dma_start3A_21] : memref<100000x128xf32, #tpu.memory_space<hbm>> -> memref<100000x128xf32, #tpu.memory_space<hbm>>
    tpu.enqueue_indirect_dma source(%dma_start3A_22 : memref<100000x128xf32, #tpu.memory_space<hbm>>) target(%arg6 : memref<128x128xf32, #tpu.memory_space<vmem>>) offsets(%dma_start3A_19 : memref<128xi32, #tpu.memory_space<vmem>>) semaphore(%arg11 : memref<!tpu.dma_semaphore, #tpu.memory_space<semaphore_mem>>)
    %dma_start3A_23 = arith.constant 1 : i32
    %dma_start3A_24 = arith.constant 0 : i32
    %dma_start3A_25 = tpu.memref_slice %arg5[%dma_start3A_23, %dma_start3A_24] : memref<50x128xi32, #tpu.memory_space<vmem>> -> memref<1x128xi32, #tpu.memory_space<vmem>>
    %dma_start3A_26 = tpu.memref_squeeze %dma_start3A_25 : memref<1x128xi32, #tpu.memory_space<vmem>> -> memref<128xi32, #tpu.memory_space<vmem>>
    %dma_start3A_27 = arith.constant 0 : i32
    %dma_start3A_28 = arith.constant 0 : i32
    %dma_start3A_29 = tpu.memref_slice %arg3[%dma_start3A_27, %dma_start3A_28] : memref<100000x128xf32, #tpu.memory_space<hbm>> -> memref<100000x128xf32, #tpu.memory_space<hbm>>
    tpu.enqueue_indirect_dma source(%dma_start3A_29 : memref<100000x128xf32, #tpu.memory_space<hbm>>) target(%arg7 : memref<128x128xf32, #tpu.memory_space<vmem>>) offsets(%dma_start3A_26 : memref<128xi32, #tpu.memory_space<vmem>>) semaphore(%arg12 : memref<!tpu.dma_semaphore, #tpu.memory_space<semaphore_mem>>)
    %dma_start3A_30 = arith.constant 2 : i32
    %dma_start3A_31 = arith.constant 0 : i32
    %dma_start3A_32 = tpu.memref_slice %arg5[%dma_start3A_30, %dma_start3A_31] : memref<50x128xi32, #tpu.memory_space<vmem>> -> memref<1x128xi32, #tpu.memory_space<vmem>>
    %dma_start3A_33 = tpu.memref_squeeze %dma_start3A_32 : memref<1x128xi32, #tpu.memory_space<vmem>> -> memref<128xi32, #tpu.memory_space<vmem>>
    %dma_start3A_34 = arith.constant 0 : i32
    %dma_start3A_35 = arith.constant 0 : i32
    %dma_start3A_36 = tpu.memref_slice %arg3[%dma_start3A_34, %dma_start3A_35] : memref<100000x128xf32, #tpu.memory_space<hbm>> -> memref<100000x128xf32, #tpu.memory_space<hbm>>
    tpu.enqueue_indirect_dma source(%dma_start3A_36 : memref<100000x128xf32, #tpu.memory_space<hbm>>) target(%arg8 : memref<128x128xf32, #tpu.memory_space<vmem>>) offsets(%dma_start3A_33 : memref<128xi32, #tpu.memory_space<vmem>>) semaphore(%arg13 : memref<!tpu.dma_semaphore, #tpu.memory_space<semaphore_mem>>)
    %dma_wait3A = arith.constant 3 : i32
    %dma_wait3A_37 = arith.constant 0 : i32
    %dma_wait3A_38 = tpu.memref_slice %arg5[%dma_wait3A, %dma_wait3A_37] : memref<50x128xi32, #tpu.memory_space<vmem>> -> memref<47x128xi32, #tpu.memory_space<vmem>>
    %dma_wait3A_39 = arith.constant 3 : i32
    %dma_wait3A_40 = arith.constant 0 : i32
    %dma_wait3A_41 = tpu.memref_slice %arg2[%dma_wait3A_39, %add3A, %dma_wait3A_40] : memref<50x32x128xi32, #tpu.memory_space<hbm>> -> memref<47x1x128xi32, #tpu.memory_space<hbm>>
    %dma_wait3A_42 = tpu.memref_squeeze %dma_wait3A_41 : memref<47x1x128xi32, #tpu.memory_space<hbm>> -> memref<47x128xi32, #tpu.memory_space<hbm>>
    %dma_wait3A_43 = arith.constant 3 : i32
    %dma_wait3A_44 = arith.constant 0 : i32
    %dma_wait3A_45 = tpu.memref_slice %arg5[%dma_wait3A_43, %dma_wait3A_44] : memref<50x128xi32, #tpu.memory_space<vmem>> -> memref<47x128xi32, #tpu.memory_space<vmem>>
    %dma_wait3A_46 = arith.constant 3 : i32
    %dma_wait3A_47 = arith.constant 0 : i32
    %dma_wait3A_48 = tpu.memref_slice %arg2[%dma_wait3A_46, %add3A, %dma_wait3A_47] : memref<50x32x128xi32, #tpu.memory_space<hbm>> -> memref<47x1x128xi32, #tpu.memory_space<hbm>>
    %dma_wait3A_49 = tpu.memref_squeeze %dma_wait3A_48 : memref<47x1x128xi32, #tpu.memory_space<hbm>> -> memref<47x128xi32, #tpu.memory_space<hbm>>
    tpu.wait_dma2 semaphore(%arg21 : memref<!tpu.dma_semaphore, #tpu.memory_space<semaphore_mem>>) src(%dma_wait3A_49 : memref<47x128xi32, #tpu.memory_space<hbm>>) dst(%dma_wait3A_45 : memref<47x128xi32, #tpu.memory_space<vmem>>)
    %scan3A = arith.constant 0 : i32
    %scan3A_50 = arith.constant 10 : i32
    %scan3A_51 = arith.addi %scan3A, %scan3A_50 : i32
    %scan3A_52 = arith.constant 1 : i32
    scf.for %scan3A_68 = %scan3A to %scan3A_51 step %scan3A_52  : i32 {
      %mul3A_69 = arith.constant 5 : i32
      %mul3A_70 = arith.muli %scan3A_68, %mul3A_69 : i32
      %add3A_71 = arith.constant 0 : i32
      %add3A_72 = arith.addi %add3A_71, %mul3A_70 : i32
      %add3A_73 = arith.constant 0 : i32
      %add3A_74 = arith.addi %add3A_72, %add3A_73 : i32
      %add3A_75 = arith.constant 3 : i32
      %add3A_76 = arith.addi %add3A_74, %add3A_75 : i32
      %sub3A = arith.constant 5 : i32
      %sub3A_77 = arith.subi %add3A_76, %sub3A : i32
      %ge3A = arith.constant 0 : i32
      %ge3A_78 = arith.cmpi sge, %sub3A_77, %ge3A : i32
      %convert_element_type3A = arith.extui %ge3A_78 : i1 to i32
      %cond3A = arith.constant 0 : i32
      %cond3A_79 = arith.cmpi ne, %convert_element_type3A, %cond3A : i32
      scf.if %cond3A_79 {
        %sub3A_208 = arith.constant 5 : i32
        %sub3A_209 = arith.subi %add3A_76, %sub3A_208 : i32
        %dma_wait3A_210 = arith.constant 0 : i32
        %dma_wait3A_211 = tpu.memref_slice %arg4[%sub3A_209, %mul3A_2, %dma_wait3A_210] : memref<50x4096x128xf32, #tpu.memory_space<hbm>> -> memref<1x128x128xf32, #tpu.memory_space<hbm>>
        %dma_wait3A_212 = tpu.memref_squeeze %dma_wait3A_211 : memref<1x128x128xf32, #tpu.memory_space<hbm>> -> memref<128x128xf32, #tpu.memory_space<hbm>>
        %dma_wait3A_213 = arith.constant 0 : i32
        %dma_wait3A_214 = tpu.memref_slice %arg4[%sub3A_209, %mul3A_2, %dma_wait3A_213] : memref<50x4096x128xf32, #tpu.memory_space<hbm>> -> memref<1x128x128xf32, #tpu.memory_space<hbm>>
        %dma_wait3A_215 = tpu.memref_squeeze %dma_wait3A_214 : memref<1x128x128xf32, #tpu.memory_space<hbm>> -> memref<128x128xf32, #tpu.memory_space<hbm>>
        tpu.wait_dma2 semaphore(%arg19 : memref<!tpu.dma_semaphore, #tpu.memory_space<semaphore_mem>>) src(%arg9 : memref<128x128xf32, #tpu.memory_space<vmem>>) dst(%dma_wait3A_215 : memref<128x128xf32, #tpu.memory_space<hbm>>)
      } else {
      }
      %lt3A = arith.constant 50 : i32
      %lt3A_80 = arith.cmpi slt, %add3A_76, %lt3A : i32
      %convert_element_type3A_81 = arith.extui %lt3A_80 : i1 to i32
      %cond3A_82 = arith.constant 0 : i32
      %cond3A_83 = arith.cmpi ne, %convert_element_type3A_81, %cond3A_82 : i32
      scf.if %cond3A_83 {
        %dma_start3A_208 = arith.constant 0 : i32
        %dma_start3A_209 = tpu.memref_slice %arg5[%add3A_76, %dma_start3A_208] : memref<50x128xi32, #tpu.memory_space<vmem>> -> memref<1x128xi32, #tpu.memory_space<vmem>>
        %dma_start3A_210 = tpu.memref_squeeze %dma_start3A_209 : memref<1x128xi32, #tpu.memory_space<vmem>> -> memref<128xi32, #tpu.memory_space<vmem>>
        %dma_start3A_211 = arith.constant 0 : i32
        %dma_start3A_212 = arith.constant 0 : i32
        %dma_start3A_213 = tpu.memref_slice %arg3[%dma_start3A_211, %dma_start3A_212] : memref<100000x128xf32, #tpu.memory_space<hbm>> -> memref<100000x128xf32, #tpu.memory_space<hbm>>
        tpu.enqueue_indirect_dma source(%dma_start3A_213 : memref<100000x128xf32, #tpu.memory_space<hbm>>) target(%arg9 : memref<128x128xf32, #tpu.memory_space<vmem>>) offsets(%dma_start3A_210 : memref<128xi32, #tpu.memory_space<vmem>>) semaphore(%arg14 : memref<!tpu.dma_semaphore, #tpu.memory_space<semaphore_mem>>)
      } else {
      }
      %dma_wait3A_84 = arith.constant 0 : i32
      %dma_wait3A_85 = tpu.memref_slice %arg5[%add3A_74, %dma_wait3A_84] : memref<50x128xi32, #tpu.memory_space<vmem>> -> memref<1x128xi32, #tpu.memory_space<vmem>>
      %dma_wait3A_86 = tpu.memref_squeeze %dma_wait3A_85 : memref<1x128xi32, #tpu.memory_space<vmem>> -> memref<128xi32, #tpu.memory_space<vmem>>
      %dma_wait3A_87 = arith.constant 0 : i32
      %dma_wait3A_88 = arith.constant 0 : i32
      %dma_wait3A_89 = tpu.memref_slice %arg3[%dma_wait3A_87, %dma_wait3A_88] : memref<100000x128xf32, #tpu.memory_space<hbm>> -> memref<100000x128xf32, #tpu.memory_space<hbm>>
      tpu.wait_indirect_dma semaphore(%arg11 : memref<!tpu.dma_semaphore, #tpu.memory_space<semaphore_mem>>) src(%dma_wait3A_89 : memref<100000x128xf32, #tpu.memory_space<hbm>>) dst(%arg6 : memref<128x128xf32, #tpu.memory_space<vmem>>)
      %dma_start3A_90 = arith.constant 0 : i32
      %dma_start3A_91 = tpu.memref_slice %arg4[%add3A_74, %mul3A_2, %dma_start3A_90] : memref<50x4096x128xf32, #tpu.memory_space<hbm>> -> memref<1x128x128xf32, #tpu.memory_space<hbm>>
      %dma_start3A_92 = tpu.memref_squeeze %dma_start3A_91 : memref<1x128x128xf32, #tpu.memory_space<hbm>> -> memref<128x128xf32, #tpu.memory_space<hbm>>
      %dma_start3A_93 = arith.constant 0 : i32
      %dma_start3A_94 = tpu.memref_slice %arg4[%add3A_74, %mul3A_2, %dma_start3A_93] : memref<50x4096x128xf32, #tpu.memory_space<hbm>> -> memref<1x128x128xf32, #tpu.memory_space<hbm>>
      %dma_start3A_95 = tpu.memref_squeeze %dma_start3A_94 : memref<1x128x128xf32, #tpu.memory_space<hbm>> -> memref<128x128xf32, #tpu.memory_space<hbm>>
      tpu.enqueue_dma source(%arg6 : memref<128x128xf32, #tpu.memory_space<vmem>>) target(%dma_start3A_95 : memref<128x128xf32, #tpu.memory_space<hbm>>) target_semaphore(%arg16 : memref<!tpu.dma_semaphore, #tpu.memory_space<semaphore_mem>>)
      %add3A_96 = arith.constant 1 : i32
      %add3A_97 = arith.addi %add3A_72, %add3A_96 : i32
      %add3A_98 = arith.constant 3 : i32
      %add3A_99 = arith.addi %add3A_97, %add3A_98 : i32
      %sub3A_100 = arith.constant 5 : i32
      %sub3A_101 = arith.subi %add3A_99, %sub3A_100 : i32
      %ge3A_102 = arith.constant 0 : i32
      %ge3A_103 = arith.cmpi sge, %sub3A_101, %ge3A_102 : i32
      %convert_element_type3A_104 = arith.extui %ge3A_103 : i1 to i32
      %cond3A_105 = arith.constant 0 : i32
      %cond3A_106 = arith.cmpi ne, %convert_element_type3A_104, %cond3A_105 : i32
      scf.if %cond3A_106 {
        %sub3A_208 = arith.constant 5 : i32
        %sub3A_209 = arith.subi %add3A_99, %sub3A_208 : i32
        %dma_wait3A_210 = arith.constant 0 : i32
        %dma_wait3A_211 = tpu.memref_slice %arg4[%sub3A_209, %mul3A_2, %dma_wait3A_210] : memref<50x4096x128xf32, #tpu.memory_space<hbm>> -> memref<1x128x128xf32, #tpu.memory_space<hbm>>
        %dma_wait3A_212 = tpu.memref_squeeze %dma_wait3A_211 : memref<1x128x128xf32, #tpu.memory_space<hbm>> -> memref<128x128xf32, #tpu.memory_space<hbm>>
        %dma_wait3A_213 = arith.constant 0 : i32
        %dma_wait3A_214 = tpu.memref_slice %arg4[%sub3A_209, %mul3A_2, %dma_wait3A_213] : memref<50x4096x128xf32, #tpu.memory_space<hbm>> -> memref<1x128x128xf32, #tpu.memory_space<hbm>>
        %dma_wait3A_215 = tpu.memref_squeeze %dma_wait3A_214 : memref<1x128x128xf32, #tpu.memory_space<hbm>> -> memref<128x128xf32, #tpu.memory_space<hbm>>
        tpu.wait_dma2 semaphore(%arg20 : memref<!tpu.dma_semaphore, #tpu.memory_space<semaphore_mem>>) src(%arg10 : memref<128x128xf32, #tpu.memory_space<vmem>>) dst(%dma_wait3A_215 : memref<128x128xf32, #tpu.memory_space<hbm>>)
      } else {
      }
      %lt3A_107 = arith.constant 50 : i32
      %lt3A_108 = arith.cmpi slt, %add3A_99, %lt3A_107 : i32
      %convert_element_type3A_109 = arith.extui %lt3A_108 : i1 to i32
      %cond3A_110 = arith.constant 0 : i32
      %cond3A_111 = arith.cmpi ne, %convert_element_type3A_109, %cond3A_110 : i32
      scf.if %cond3A_111 {
        %dma_start3A_208 = arith.constant 0 : i32
        %dma_start3A_209 = tpu.memref_slice %arg5[%add3A_99, %dma_start3A_208] : memref<50x128xi32, #tpu.memory_space<vmem>> -> memref<1x128xi32, #tpu.memory_space<vmem>>
        %dma_start3A_210 = tpu.memref_squeeze %dma_start3A_209 : memref<1x128xi32, #tpu.memory_space<vmem>> -> memref<128xi32, #tpu.memory_space<vmem>>
        %dma_start3A_211 = arith.constant 0 : i32
        %dma_start3A_212 = arith.constant 0 : i32
        %dma_start3A_213 = tpu.memref_slice %arg3[%dma_start3A_211, %dma_start3A_212] : memref<100000x128xf32, #tpu.memory_space<hbm>> -> memref<100000x128xf32, #tpu.memory_space<hbm>>
        tpu.enqueue_indirect_dma source(%dma_start3A_213 : memref<100000x128xf32, #tpu.memory_space<hbm>>) target(%arg10 : memref<128x128xf32, #tpu.memory_space<vmem>>) offsets(%dma_start3A_210 : memref<128xi32, #tpu.memory_space<vmem>>) semaphore(%arg15 : memref<!tpu.dma_semaphore, #tpu.memory_space<semaphore_mem>>)
      } else {
      }
      %dma_wait3A_112 = arith.constant 0 : i32
      %dma_wait3A_113 = tpu.memref_slice %arg5[%add3A_97, %dma_wait3A_112] : memref<50x128xi32, #tpu.memory_space<vmem>> -> memref<1x128xi32, #tpu.memory_space<vmem>>
      %dma_wait3A_114 = tpu.memref_squeeze %dma_wait3A_113 : memref<1x128xi32, #tpu.memory_space<vmem>> -> memref<128xi32, #tpu.memory_space<vmem>>
      %dma_wait3A_115 = arith.constant 0 : i32
      %dma_wait3A_116 = arith.constant 0 : i32
      %dma_wait3A_117 = tpu.memref_slice %arg3[%dma_wait3A_115, %dma_wait3A_116] : memref<100000x128xf32, #tpu.memory_space<hbm>> -> memref<100000x128xf32, #tpu.memory_space<hbm>>
      tpu.wait_indirect_dma semaphore(%arg12 : memref<!tpu.dma_semaphore, #tpu.memory_space<semaphore_mem>>) src(%dma_wait3A_117 : memref<100000x128xf32, #tpu.memory_space<hbm>>) dst(%arg7 : memref<128x128xf32, #tpu.memory_space<vmem>>)
      %dma_start3A_118 = arith.constant 0 : i32
      %dma_start3A_119 = tpu.memref_slice %arg4[%add3A_97, %mul3A_2, %dma_start3A_118] : memref<50x4096x128xf32, #tpu.memory_space<hbm>> -> memref<1x128x128xf32, #tpu.memory_space<hbm>>
      %dma_start3A_120 = tpu.memref_squeeze %dma_start3A_119 : memref<1x128x128xf32, #tpu.memory_space<hbm>> -> memref<128x128xf32, #tpu.memory_space<hbm>>
      %dma_start3A_121 = arith.constant 0 : i32
      %dma_start3A_122 = tpu.memref_slice %arg4[%add3A_97, %mul3A_2, %dma_start3A_121] : memref<50x4096x128xf32, #tpu.memory_space<hbm>> -> memref<1x128x128xf32, #tpu.memory_space<hbm>>
      %dma_start3A_123 = tpu.memref_squeeze %dma_start3A_122 : memref<1x128x128xf32, #tpu.memory_space<hbm>> -> memref<128x128xf32, #tpu.memory_space<hbm>>
      tpu.enqueue_dma source(%arg7 : memref<128x128xf32, #tpu.memory_space<vmem>>) target(%dma_start3A_123 : memref<128x128xf32, #tpu.memory_space<hbm>>) target_semaphore(%arg17 : memref<!tpu.dma_semaphore, #tpu.memory_space<semaphore_mem>>)
      %add3A_124 = arith.constant 2 : i32
      %add3A_125 = arith.addi %add3A_72, %add3A_124 : i32
      %add3A_126 = arith.constant 3 : i32
      %add3A_127 = arith.addi %add3A_125, %add3A_126 : i32
      %sub3A_128 = arith.constant 5 : i32
      %sub3A_129 = arith.subi %add3A_127, %sub3A_128 : i32
      %ge3A_130 = arith.constant 0 : i32
      %ge3A_131 = arith.cmpi sge, %sub3A_129, %ge3A_130 : i32
      %convert_element_type3A_132 = arith.extui %ge3A_131 : i1 to i32
      %cond3A_133 = arith.constant 0 : i32
      %cond3A_134 = arith.cmpi ne, %convert_element_type3A_132, %cond3A_133 : i32
      scf.if %cond3A_134 {
        %sub3A_208 = arith.constant 5 : i32
        %sub3A_209 = arith.subi %add3A_127, %sub3A_208 : i32
        %dma_wait3A_210 = arith.constant 0 : i32
        %dma_wait3A_211 = tpu.memref_slice %arg4[%sub3A_209, %mul3A_2, %dma_wait3A_210] : memref<50x4096x128xf32, #tpu.memory_space<hbm>> -> memref<1x128x128xf32, #tpu.memory_space<hbm>>
        %dma_wait3A_212 = tpu.memref_squeeze %dma_wait3A_211 : memref<1x128x128xf32, #tpu.memory_space<hbm>> -> memref<128x128xf32, #tpu.memory_space<hbm>>
        %dma_wait3A_213 = arith.constant 0 : i32
        %dma_wait3A_214 = tpu.memref_slice %arg4[%sub3A_209, %mul3A_2, %dma_wait3A_213] : memref<50x4096x128xf32, #tpu.memory_space<hbm>> -> memref<1x128x128xf32, #tpu.memory_space<hbm>>
        %dma_wait3A_215 = tpu.memref_squeeze %dma_wait3A_214 : memref<1x128x128xf32, #tpu.memory_space<hbm>> -> memref<128x128xf32, #tpu.memory_space<hbm>>
        tpu.wait_dma2 semaphore(%arg16 : memref<!tpu.dma_semaphore, #tpu.memory_space<semaphore_mem>>) src(%arg6 : memref<128x128xf32, #tpu.memory_space<vmem>>) dst(%dma_wait3A_215 : memref<128x128xf32, #tpu.memory_space<hbm>>)
      } else {
      }
      %lt3A_135 = arith.constant 50 : i32
      %lt3A_136 = arith.cmpi slt, %add3A_127, %lt3A_135 : i32
      %convert_element_type3A_137 = arith.extui %lt3A_136 : i1 to i32
      %cond3A_138 = arith.constant 0 : i32
      %cond3A_139 = arith.cmpi ne, %convert_element_type3A_137, %cond3A_138 : i32
      scf.if %cond3A_139 {
        %dma_start3A_208 = arith.constant 0 : i32
        %dma_start3A_209 = tpu.memref_slice %arg5[%add3A_127, %dma_start3A_208] : memref<50x128xi32, #tpu.memory_space<vmem>> -> memref<1x128xi32, #tpu.memory_space<vmem>>
        %dma_start3A_210 = tpu.memref_squeeze %dma_start3A_209 : memref<1x128xi32, #tpu.memory_space<vmem>> -> memref<128xi32, #tpu.memory_space<vmem>>
        %dma_start3A_211 = arith.constant 0 : i32
        %dma_start3A_212 = arith.constant 0 : i32
        %dma_start3A_213 = tpu.memref_slice %arg3[%dma_start3A_211, %dma_start3A_212] : memref<100000x128xf32, #tpu.memory_space<hbm>> -> memref<100000x128xf32, #tpu.memory_space<hbm>>
        tpu.enqueue_indirect_dma source(%dma_start3A_213 : memref<100000x128xf32, #tpu.memory_space<hbm>>) target(%arg6 : memref<128x128xf32, #tpu.memory_space<vmem>>) offsets(%dma_start3A_210 : memref<128xi32, #tpu.memory_space<vmem>>) semaphore(%arg11 : memref<!tpu.dma_semaphore, #tpu.memory_space<semaphore_mem>>)
      } else {
      }
      %dma_wait3A_140 = arith.constant 0 : i32
      %dma_wait3A_141 = tpu.memref_slice %arg5[%add3A_125, %dma_wait3A_140] : memref<50x128xi32, #tpu.memory_space<vmem>> -> memref<1x128xi32, #tpu.memory_space<vmem>>
      %dma_wait3A_142 = tpu.memref_squeeze %dma_wait3A_141 : memref<1x128xi32, #tpu.memory_space<vmem>> -> memref<128xi32, #tpu.memory_space<vmem>>
      %dma_wait3A_143 = arith.constant 0 : i32
      %dma_wait3A_144 = arith.constant 0 : i32
      %dma_wait3A_145 = tpu.memref_slice %arg3[%dma_wait3A_143, %dma_wait3A_144] : memref<100000x128xf32, #tpu.memory_space<hbm>> -> memref<100000x128xf32, #tpu.memory_space<hbm>>
      tpu.wait_indirect_dma semaphore(%arg13 : memref<!tpu.dma_semaphore, #tpu.memory_space<semaphore_mem>>) src(%dma_wait3A_145 : memref<100000x128xf32, #tpu.memory_space<hbm>>) dst(%arg8 : memref<128x128xf32, #tpu.memory_space<vmem>>)
      %dma_start3A_146 = arith.constant 0 : i32
      %dma_start3A_147 = tpu.memref_slice %arg4[%add3A_125, %mul3A_2, %dma_start3A_146] : memref<50x4096x128xf32, #tpu.memory_space<hbm>> -> memref<1x128x128xf32, #tpu.memory_space<hbm>>
      %dma_start3A_148 = tpu.memref_squeeze %dma_start3A_147 : memref<1x128x128xf32, #tpu.memory_space<hbm>> -> memref<128x128xf32, #tpu.memory_space<hbm>>
      %dma_start3A_149 = arith.constant 0 : i32
      %dma_start3A_150 = tpu.memref_slice %arg4[%add3A_125, %mul3A_2, %dma_start3A_149] : memref<50x4096x128xf32, #tpu.memory_space<hbm>> -> memref<1x128x128xf32, #tpu.memory_space<hbm>>
      %dma_start3A_151 = tpu.memref_squeeze %dma_start3A_150 : memref<1x128x128xf32, #tpu.memory_space<hbm>> -> memref<128x128xf32, #tpu.memory_space<hbm>>
      tpu.enqueue_dma source(%arg8 : memref<128x128xf32, #tpu.memory_space<vmem>>) target(%dma_start3A_151 : memref<128x128xf32, #tpu.memory_space<hbm>>) target_semaphore(%arg18 : memref<!tpu.dma_semaphore, #tpu.memory_space<semaphore_mem>>)
      %add3A_152 = arith.constant 3 : i32
      %add3A_153 = arith.addi %add3A_72, %add3A_152 : i32
      %add3A_154 = arith.constant 3 : i32
      %add3A_155 = arith.addi %add3A_153, %add3A_154 : i32
      %sub3A_156 = arith.constant 5 : i32
      %sub3A_157 = arith.subi %add3A_155, %sub3A_156 : i32
      %ge3A_158 = arith.constant 0 : i32
      %ge3A_159 = arith.cmpi sge, %sub3A_157, %ge3A_158 : i32
      %convert_element_type3A_160 = arith.extui %ge3A_159 : i1 to i32
      %cond3A_161 = arith.constant 0 : i32
      %cond3A_162 = arith.cmpi ne, %convert_element_type3A_160, %cond3A_161 : i32
      scf.if %cond3A_162 {
        %sub3A_208 = arith.constant 5 : i32
        %sub3A_209 = arith.subi %add3A_155, %sub3A_208 : i32
        %dma_wait3A_210 = arith.constant 0 : i32
        %dma_wait3A_211 = tpu.memref_slice %arg4[%sub3A_209, %mul3A_2, %dma_wait3A_210] : memref<50x4096x128xf32, #tpu.memory_space<hbm>> -> memref<1x128x128xf32, #tpu.memory_space<hbm>>
        %dma_wait3A_212 = tpu.memref_squeeze %dma_wait3A_211 : memref<1x128x128xf32, #tpu.memory_space<hbm>> -> memref<128x128xf32, #tpu.memory_space<hbm>>
        %dma_wait3A_213 = arith.constant 0 : i32
        %dma_wait3A_214 = tpu.memref_slice %arg4[%sub3A_209, %mul3A_2, %dma_wait3A_213] : memref<50x4096x128xf32, #tpu.memory_space<hbm>> -> memref<1x128x128xf32, #tpu.memory_space<hbm>>
        %dma_wait3A_215 = tpu.memref_squeeze %dma_wait3A_214 : memref<1x128x128xf32, #tpu.memory_space<hbm>> -> memref<128x128xf32, #tpu.memory_space<hbm>>
        tpu.wait_dma2 semaphore(%arg17 : memref<!tpu.dma_semaphore, #tpu.memory_space<semaphore_mem>>) src(%arg7 : memref<128x128xf32, #tpu.memory_space<vmem>>) dst(%dma_wait3A_215 : memref<128x128xf32, #tpu.memory_space<hbm>>)
      } else {
      }
      %lt3A_163 = arith.constant 50 : i32
      %lt3A_164 = arith.cmpi slt, %add3A_155, %lt3A_163 : i32
      %convert_element_type3A_165 = arith.extui %lt3A_164 : i1 to i32
      %cond3A_166 = arith.constant 0 : i32
      %cond3A_167 = arith.cmpi ne, %convert_element_type3A_165, %cond3A_166 : i32
      scf.if %cond3A_167 {
        %dma_start3A_208 = arith.constant 0 : i32
        %dma_start3A_209 = tpu.memref_slice %arg5[%add3A_155, %dma_start3A_208] : memref<50x128xi32, #tpu.memory_space<vmem>> -> memref<1x128xi32, #tpu.memory_space<vmem>>
        %dma_start3A_210 = tpu.memref_squeeze %dma_start3A_209 : memref<1x128xi32, #tpu.memory_space<vmem>> -> memref<128xi32, #tpu.memory_space<vmem>>
        %dma_start3A_211 = arith.constant 0 : i32
        %dma_start3A_212 = arith.constant 0 : i32
        %dma_start3A_213 = tpu.memref_slice %arg3[%dma_start3A_211, %dma_start3A_212] : memref<100000x128xf32, #tpu.memory_space<hbm>> -> memref<100000x128xf32, #tpu.memory_space<hbm>>
        tpu.enqueue_indirect_dma source(%dma_start3A_213 : memref<100000x128xf32, #tpu.memory_space<hbm>>) target(%arg7 : memref<128x128xf32, #tpu.memory_space<vmem>>) offsets(%dma_start3A_210 : memref<128xi32, #tpu.memory_space<vmem>>) semaphore(%arg12 : memref<!tpu.dma_semaphore, #tpu.memory_space<semaphore_mem>>)
      } else {
      }
      %dma_wait3A_168 = arith.constant 0 : i32
      %dma_wait3A_169 = tpu.memref_slice %arg5[%add3A_153, %dma_wait3A_168] : memref<50x128xi32, #tpu.memory_space<vmem>> -> memref<1x128xi32, #tpu.memory_space<vmem>>
      %dma_wait3A_170 = tpu.memref_squeeze %dma_wait3A_169 : memref<1x128xi32, #tpu.memory_space<vmem>> -> memref<128xi32, #tpu.memory_space<vmem>>
      %dma_wait3A_171 = arith.constant 0 : i32
      %dma_wait3A_172 = arith.constant 0 : i32
      %dma_wait3A_173 = tpu.memref_slice %arg3[%dma_wait3A_171, %dma_wait3A_172] : memref<100000x128xf32, #tpu.memory_space<hbm>> -> memref<100000x128xf32, #tpu.memory_space<hbm>>
      tpu.wait_indirect_dma semaphore(%arg14 : memref<!tpu.dma_semaphore, #tpu.memory_space<semaphore_mem>>) src(%dma_wait3A_173 : memref<100000x128xf32, #tpu.memory_space<hbm>>) dst(%arg9 : memref<128x128xf32, #tpu.memory_space<vmem>>)
      %dma_start3A_174 = arith.constant 0 : i32
      %dma_start3A_175 = tpu.memref_slice %arg4[%add3A_153, %mul3A_2, %dma_start3A_174] : memref<50x4096x128xf32, #tpu.memory_space<hbm>> -> memref<1x128x128xf32, #tpu.memory_space<hbm>>
      %dma_start3A_176 = tpu.memref_squeeze %dma_start3A_175 : memref<1x128x128xf32, #tpu.memory_space<hbm>> -> memref<128x128xf32, #tpu.memory_space<hbm>>
      %dma_start3A_177 = arith.constant 0 : i32
      %dma_start3A_178 = tpu.memref_slice %arg4[%add3A_153, %mul3A_2, %dma_start3A_177] : memref<50x4096x128xf32, #tpu.memory_space<hbm>> -> memref<1x128x128xf32, #tpu.memory_space<hbm>>
      %dma_start3A_179 = tpu.memref_squeeze %dma_start3A_178 : memref<1x128x128xf32, #tpu.memory_space<hbm>> -> memref<128x128xf32, #tpu.memory_space<hbm>>
      tpu.enqueue_dma source(%arg9 : memref<128x128xf32, #tpu.memory_space<vmem>>) target(%dma_start3A_179 : memref<128x128xf32, #tpu.memory_space<hbm>>) target_semaphore(%arg19 : memref<!tpu.dma_semaphore, #tpu.memory_space<semaphore_mem>>)
      %add3A_180 = arith.constant 4 : i32
      %add3A_181 = arith.addi %add3A_72, %add3A_180 : i32
      %add3A_182 = arith.constant 3 : i32
      %add3A_183 = arith.addi %add3A_181, %add3A_182 : i32
      %sub3A_184 = arith.constant 5 : i32
      %sub3A_185 = arith.subi %add3A_183, %sub3A_184 : i32
      %ge3A_186 = arith.constant 0 : i32
      %ge3A_187 = arith.cmpi sge, %sub3A_185, %ge3A_186 : i32
      %convert_element_type3A_188 = arith.extui %ge3A_187 : i1 to i32
      %cond3A_189 = arith.constant 0 : i32
      %cond3A_190 = arith.cmpi ne, %convert_element_type3A_188, %cond3A_189 : i32
      scf.if %cond3A_190 {
        %sub3A_208 = arith.constant 5 : i32
        %sub3A_209 = arith.subi %add3A_183, %sub3A_208 : i32
        %dma_wait3A_210 = arith.constant 0 : i32
        %dma_wait3A_211 = tpu.memref_slice %arg4[%sub3A_209, %mul3A_2, %dma_wait3A_210] : memref<50x4096x128xf32, #tpu.memory_space<hbm>> -> memref<1x128x128xf32, #tpu.memory_space<hbm>>
        %dma_wait3A_212 = tpu.memref_squeeze %dma_wait3A_211 : memref<1x128x128xf32, #tpu.memory_space<hbm>> -> memref<128x128xf32, #tpu.memory_space<hbm>>
        %dma_wait3A_213 = arith.constant 0 : i32
        %dma_wait3A_214 = tpu.memref_slice %arg4[%sub3A_209, %mul3A_2, %dma_wait3A_213] : memref<50x4096x128xf32, #tpu.memory_space<hbm>> -> memref<1x128x128xf32, #tpu.memory_space<hbm>>
        %dma_wait3A_215 = tpu.memref_squeeze %dma_wait3A_214 : memref<1x128x128xf32, #tpu.memory_space<hbm>> -> memref<128x128xf32, #tpu.memory_space<hbm>>
        tpu.wait_dma2 semaphore(%arg18 : memref<!tpu.dma_semaphore, #tpu.memory_space<semaphore_mem>>) src(%arg8 : memref<128x128xf32, #tpu.memory_space<vmem>>) dst(%dma_wait3A_215 : memref<128x128xf32, #tpu.memory_space<hbm>>)
      } else {
      }
      %lt3A_191 = arith.constant 50 : i32
      %lt3A_192 = arith.cmpi slt, %add3A_183, %lt3A_191 : i32
      %convert_element_type3A_193 = arith.extui %lt3A_192 : i1 to i32
      %cond3A_194 = arith.constant 0 : i32
      %cond3A_195 = arith.cmpi ne, %convert_element_type3A_193, %cond3A_194 : i32
      scf.if %cond3A_195 {
        %dma_start3A_208 = arith.constant 0 : i32
        %dma_start3A_209 = tpu.memref_slice %arg5[%add3A_183, %dma_start3A_208] : memref<50x128xi32, #tpu.memory_space<vmem>> -> memref<1x128xi32, #tpu.memory_space<vmem>>
        %dma_start3A_210 = tpu.memref_squeeze %dma_start3A_209 : memref<1x128xi32, #tpu.memory_space<vmem>> -> memref<128xi32, #tpu.memory_space<vmem>>
        %dma_start3A_211 = arith.constant 0 : i32
        %dma_start3A_212 = arith.constant 0 : i32
        %dma_start3A_213 = tpu.memref_slice %arg3[%dma_start3A_211, %dma_start3A_212] : memref<100000x128xf32, #tpu.memory_space<hbm>> -> memref<100000x128xf32, #tpu.memory_space<hbm>>
        tpu.enqueue_indirect_dma source(%dma_start3A_213 : memref<100000x128xf32, #tpu.memory_space<hbm>>) target(%arg8 : memref<128x128xf32, #tpu.memory_space<vmem>>) offsets(%dma_start3A_210 : memref<128xi32, #tpu.memory_space<vmem>>) semaphore(%arg13 : memref<!tpu.dma_semaphore, #tpu.memory_space<semaphore_mem>>)
      } else {
      }
      %dma_wait3A_196 = arith.constant 0 : i32
      %dma_wait3A_197 = tpu.memref_slice %arg5[%add3A_181, %dma_wait3A_196] : memref<50x128xi32, #tpu.memory_space<vmem>> -> memref<1x128xi32, #tpu.memory_space<vmem>>
      %dma_wait3A_198 = tpu.memref_squeeze %dma_wait3A_197 : memref<1x128xi32, #tpu.memory_space<vmem>> -> memref<128xi32, #tpu.memory_space<vmem>>
      %dma_wait3A_199 = arith.constant 0 : i32
      %dma_wait3A_200 = arith.constant 0 : i32
      %dma_wait3A_201 = tpu.memref_slice %arg3[%dma_wait3A_199, %dma_wait3A_200] : memref<100000x128xf32, #tpu.memory_space<hbm>> -> memref<100000x128xf32, #tpu.memory_space<hbm>>
      tpu.wait_indirect_dma semaphore(%arg15 : memref<!tpu.dma_semaphore, #tpu.memory_space<semaphore_mem>>) src(%dma_wait3A_201 : memref<100000x128xf32, #tpu.memory_space<hbm>>) dst(%arg10 : memref<128x128xf32, #tpu.memory_space<vmem>>)
      %dma_start3A_202 = arith.constant 0 : i32
      %dma_start3A_203 = tpu.memref_slice %arg4[%add3A_181, %mul3A_2, %dma_start3A_202] : memref<50x4096x128xf32, #tpu.memory_space<hbm>> -> memref<1x128x128xf32, #tpu.memory_space<hbm>>
      %dma_start3A_204 = tpu.memref_squeeze %dma_start3A_203 : memref<1x128x128xf32, #tpu.memory_space<hbm>> -> memref<128x128xf32, #tpu.memory_space<hbm>>
      %dma_start3A_205 = arith.constant 0 : i32
      %dma_start3A_206 = tpu.memref_slice %arg4[%add3A_181, %mul3A_2, %dma_start3A_205] : memref<50x4096x128xf32, #tpu.memory_space<hbm>> -> memref<1x128x128xf32, #tpu.memory_space<hbm>>
      %dma_start3A_207 = tpu.memref_squeeze %dma_start3A_206 : memref<1x128x128xf32, #tpu.memory_space<hbm>> -> memref<128x128xf32, #tpu.memory_space<hbm>>
      tpu.enqueue_dma source(%arg10 : memref<128x128xf32, #tpu.memory_space<vmem>>) target(%dma_start3A_207 : memref<128x128xf32, #tpu.memory_space<hbm>>) target_semaphore(%arg20 : memref<!tpu.dma_semaphore, #tpu.memory_space<semaphore_mem>>)
    }
    %scan3A_53 = arith.constant 10 : i32
    %dma_wait3A_54 = arith.constant 48 : i32
    %dma_wait3A_55 = arith.constant 0 : i32
    %dma_wait3A_56 = tpu.memref_slice %arg4[%dma_wait3A_54, %mul3A_2, %dma_wait3A_55] : memref<50x4096x128xf32, #tpu.memory_space<hbm>> -> memref<1x128x128xf32, #tpu.memory_space<hbm>>
    %dma_wait3A_57 = tpu.memref_squeeze %dma_wait3A_56 : memref<1x128x128xf32, #tpu.memory_space<hbm>> -> memref<128x128xf32, #tpu.memory_space<hbm>>
    %dma_wait3A_58 = arith.constant 0 : i32
    %dma_wait3A_59 = tpu.memref_slice %arg4[%dma_wait3A_54, %mul3A_2, %dma_wait3A_58] : memref<50x4096x128xf32, #tpu.memory_space<hbm>> -> memref<1x128x128xf32, #tpu.memory_space<hbm>>
    %dma_wait3A_60 = tpu.memref_squeeze %dma_wait3A_59 : memref<1x128x128xf32, #tpu.memory_space<hbm>> -> memref<128x128xf32, #tpu.memory_space<hbm>>
    tpu.wait_dma2 semaphore(%arg19 : memref<!tpu.dma_semaphore, #tpu.memory_space<semaphore_mem>>) src(%arg9 : memref<128x128xf32, #tpu.memory_space<vmem>>) dst(%dma_wait3A_60 : memref<128x128xf32, #tpu.memory_space<hbm>>)
    %dma_wait3A_61 = arith.constant 49 : i32
    %dma_wait3A_62 = arith.constant 0 : i32
    %dma_wait3A_63 = tpu.memref_slice %arg4[%dma_wait3A_61, %mul3A_2, %dma_wait3A_62] : memref<50x4096x128xf32, #tpu.memory_space<hbm>> -> memref<1x128x128xf32, #tpu.memory_space<hbm>>
    %dma_wait3A_64 = tpu.memref_squeeze %dma_wait3A_63 : memref<1x128x128xf32, #tpu.memory_space<hbm>> -> memref<128x128xf32, #tpu.memory_space<hbm>>
    %dma_wait3A_65 = arith.constant 0 : i32
    %dma_wait3A_66 = tpu.memref_slice %arg4[%dma_wait3A_61, %mul3A_2, %dma_wait3A_65] : memref<50x4096x128xf32, #tpu.memory_space<hbm>> -> memref<1x128x128xf32, #tpu.memory_space<hbm>>
    %dma_wait3A_67 = tpu.memref_squeeze %dma_wait3A_66 : memref<1x128x128xf32, #tpu.memory_space<hbm>> -> memref<128x128xf32, #tpu.memory_space<hbm>>
    tpu.wait_dma2 semaphore(%arg20 : memref<!tpu.dma_semaphore, #tpu.memory_space<semaphore_mem>>) src(%arg10 : memref<128x128xf32, #tpu.memory_space<vmem>>) dst(%dma_wait3A_67 : memref<128x128xf32, #tpu.memory_space<hbm>>)
    return
  }
}

</mosaic_0001>

<sc_bundles>
// kernel: kernel.3.cloned.1.call-start
scs
__scs_entry_jumppad:
0x0: {  	(pc) =	sbr.rel $0x88, $3  }
0x1: {  	(tag) =	ssettag $0x0;
	lr =	simm.s32 $0x1  }
0x2: {  	[smem:$0x3F9F] =	sst lr;
	_ =	strace $0xD0000000  }
0x3: {  	_ = 	snop  }
0x4: {  	_ = 	snop  }
0x5: {  	_ = 	snop  }
0x6: {  	_ = 	snop  }
0x7: {  	_ = 	snop  }
__scs_overlays_trampoline_lowered:
0x8: {  	[smem:$0x3FAE] =	sst s0  }
0x9: {  	[smem:$0x3FAF] =	sst s1  }
0xa: {  	[smem:$0x3FB0] =	sst s2  }
0xb: {  	[smem:$0x3FB1] =	sst s3  }
0xc: {  	[smem:$0x3FB2] =	sst s4  }
0xd: {  	[smem:$0x3FB3] =	sst s5  }
0xe: {  	[smem:$0x3FB4] =	sst s6  }
0xf: {  	[smem:$0x3FB5] =	sst s7  }
0x10: {  	[smem:$0x3FB6] =	sst s8  }
0x11: {  	[smem:$0x3FB7] =	sst s9;
	s0 =	simm.s32 @!p0 $0x0  }
0x12: {  	s1 =	sld [smem:$0x3F9D];
	s0 =	simm.s32 @p0 $0x1  }
0x13: {  	[smem:$0x3FB8] =	sst s0;
	s0 =	simm.s32 @!p1 $0x0  }
0x14: {  	s2 =	sld [smem:$0x3F9C];
	s0 =	simm.s32 @p1 $0x1  }
0x15: {  	[smem:$0x3FB9] =	sst s0;
	s0 =	simm.s32 @!p2 $0x0  }
0x16: {  	s3 =	sld [smem:$0x3FDB];
	s0 =	simm.s32 @p2 $0x1  }
0x17: {  	s4 =	simm.s32 $0x1BF5;
	[smem:$0x3FBB] =	sst s0  }
0x18: {  	s0 =	sld [smem:$0x3F9E];
	_ =	swait.ge [sflag:s4], $0x0  }
0x19: {  	s7 =	sld [smem:$0x3F9F]  }
0x1a: {  	s8 =	sadd.s32 $0xFFFFE003, lr  }
0x1b: {  	s9 =	sadd.s32 $0xFFFFFEF7, lr;
	s5 =	simm.s32 $0xFFFFFFFF;
	p2 =	slt.u32 s8, $0xFFFFF086  }
0x1c: {  	p1 =	slt.u32 s9, $0xF7A;
	s5 =	simm.s32 @!p2 $0x0  }
0x1d: {  	s5 =	simm.s32 @p1 $0x1;
	p0 =	seq.s32 s7, s2  }
0x1e: {  	s7 =	smul.u32 @!p0 $0xF7A, s2;
	p2 =	seq.s32 @!p0 s5, $0x0  }
0x1f: {  	s9 =	smul.u32 $0xF7A, s1;
	s8 =	simm.s32 @!p0 $0x1BF5;
	p2 =	por !p2, p0  }
0x20: {  	[sflag:s8] =	ssyncset.s32 @!p0 $0xFFFFF086;
	s6 =	sadd.s32 @!p0 s3, s7;
	s7 =	simm.s32 @!p0 $0x108  }
0x21: {  	s3 =	sadd.s32 s3, s9;
	s6 =	sadd.s32 @!p0 $0x88, s6;
	s7 =	simm.s32 @p2 $0x1082  }
0x22: {  	[simem:s7], [sflag:s8] =	dma.local @!p0 [hbm:s6], $0xF7A  }
0x23: {  	s9 =	sor.u32 $0xD0000000, s2;
	s6 =	simm.s32 $0x108;
	_ =	swait.ge @!p0 [sflag:s8], $0x0  }
0x24: {  	s3 =	sadd.s32 $0x88, s3;
	s6 =	simm.s32 @!p1 $0x1082;
	[sflag:s4] =	ssyncset.s32 $0xFFFFF086  }
0x25: {  	[simem:s6], [sflag:s4] =	dma.local [hbm:s3], $0xF7A  }
0x26: {  	[smem:$0x3F9F] =	sst s1;
	(tag) =	ssettag s2;
	_ =	strace s9  }
0x27: {  	s1 =	sld [smem:$0x3FAF]  }
0x28: {  	s2 =	sld [smem:$0x3FB0]  }
0x29: {  	s4 =	sld [smem:$0x3FB2]  }
0x2a: {  	p0 =	seq.s32 s5, $0x0;
	s5 =	sld [smem:$0x3FB3]  }
0x2b: {  	s6 =	sld [smem:$0x3FB4]  }
0x2c: {  	s7 =	sld [smem:$0x3FB5]  }
0x2d: {  	s3 =	simm.s32 $0x108;
	s8 =	sld [smem:$0x3FB6]  }
0x2e: {  	s3 =	simm.s32 @!p0 $0x1082;
	s9 =	sld [smem:$0x3FB7]  }
0x2f: {  	lr =	sadd.s32 s0, s3;
	s0 =	sld [smem:$0x3FAE]  }
0x30: {  	s3 =	sld [smem:$0x3FB1]  }
0x31: {  	[smem:$0x3FBA] =	sst s10  }
0x32: {  	s10 =	sld [smem:$0x3FB8];
	_ =	sdelay $0x3  }
0x33: {  	p0 =	seq.s32 s10, $0x1;
	s10 =	sld [smem:$0x3FBA];
	_ =	sdelay $0x3  }
0x34: {  	[smem:$0x3FBA] =	sst s10  }
0x35: {  	s10 =	sld [smem:$0x3FB9];
	_ =	sdelay $0x3  }
0x36: {  	p1 =	seq.s32 s10, $0x1;
	s10 =	sld [smem:$0x3FBA];
	_ =	sdelay $0x3  }
0x37: {  	[smem:$0x3FBA] =	sst s10  }
0x38: {  	s10 =	sld [smem:$0x3FBB]  }
0x39: {  	_ = 	snop;
	(pc) =	sbr.ind lr, $3  }
0x3a: {  	_ = 	snop  }
0x3b: {  	_ = 	snop  }
0x3c: {  	p2 =	seq.s32 s10, $0x1;
	s10 =	sld [smem:$0x3FBA]  }
0x3d: {  	_ =	shalt  }
0x3e: {  	_ =	shalt  }
0x3f: {  	_ =	shalt  }
0x40: {  	_ =	shalt  }
0x41: {  	_ =	shalt  }
0x42: {  	_ =	shalt  }
0x43: {  	_ =	shalt  }
0x44: {  	_ =	shalt  }
0x45: {  	_ =	shalt  }
0x46: {  	_ =	shalt  }
0x47: {  	_ =	shalt  }
0x48: {  	_ =	shalt  }
0x49: {  	_ =	shalt  }
0x4a: {  	_ =	shalt  }
0x4b: {  	_ =	shalt  }
0x4c: {  	_ =	shalt  }
0x4d: {  	_ =	shalt  }
0x4e: {  	_ =	shalt  }
0x4f: {  	_ =	shalt  }
0x50: {  	_ =	shalt  }
0x51: {  	_ =	shalt  }
0x52: {  	_ =	shalt  }
0x53: {  	_ =	shalt  }
0x54: {  	_ =	shalt  }
0x55: {  	_ =	shalt  }
0x56: {  	_ =	shalt  }
0x57: {  	_ =	shalt  }
0x58: {  	_ =	shalt  }
0x59: {  	_ =	shalt  }
0x5a: {  	_ =	shalt  }
0x5b: {  	_ =	shalt  }
0x5c: {  	_ =	shalt  }
0x5d: {  	_ =	shalt  }
0x5e: {  	_ =	shalt  }
0x5f: {  	_ =	shalt  }
0x60: {  	_ =	shalt  }
0x61: {  	_ =	shalt  }
0x62: {  	_ =	shalt  }
0x63: {  	_ =	shalt  }
0x64: {  	_ =	shalt  }
0x65: {  	_ =	shalt  }
0x66: {  	_ =	shalt  }
0x67: {  	_ =	shalt  }
0x68: {  	_ =	shalt  }
0x69: {  	_ =	shalt  }
0x6a: {  	_ =	shalt  }
0x6b: {  	_ =	shalt  }
0x6c: {  	_ =	shalt  }
0x6d: {  	_ =	shalt  }
0x6e: {  	_ =	shalt  }
0x6f: {  	_ =	shalt  }
0x70: {  	_ =	shalt  }
0x71: {  	_ =	shalt  }
0x72: {  	_ =	shalt  }
0x73: {  	_ =	shalt  }
0x74: {  	_ =	shalt  }
0x75: {  	_ =	shalt  }
0x76: {  	_ =	shalt  }
0x77: {  	_ =	shalt  }
0x78: {  	_ =	shalt  }
0x79: {  	_ =	shalt  }
0x7a: {  	_ =	shalt  }
0x7b: {  	_ =	shalt  }
0x7c: {  	_ =	shalt  }
0x7d: {  	_ =	shalt  }
0x7e: {  	_ =	shalt  }
0x7f: {  	_ =	shalt  }
0x80: {  	_ =	shalt  }
0x81: {  	_ =	shalt  }
0x82: {  	_ =	shalt  }
0x83: {  	_ =	shalt  }
0x84: {  	_ =	shalt  }
0x85: {  	_ =	shalt  }
0x86: {  	_ =	shalt  }
0x87: {  	_ =	shalt  }
.Lfunc_end0:
.L_simem_size_0:
called_computation_lowered:
.L_overlay_start_0:
0x88: {  	s2 =	sld [smem:$0x3FD9]  }
0x89: {  	s3 =	sld [smem:$0x3FFE];
	_ =	sdelay $0x1  }
0x8a: {  	s1 =	srdreg.scid  }
0x8b: {  	s0 =	sand.u32 $0x1, s1  }
0x8c: {  	s17 =	sshll.u32 s0, $0xA;
	s2 =	sadd.s32 s3, s2  }
0x8d: {  	s2 =	sadd.s32 s2, s17  }
0x8e: {  	[smem:$0x3FC6] =	sst s2  }
0x8f: {  	_ = 	snop  }
0x90: {  	s2 =	sld [smem:$0x3FC8]  }
0x91: {  	s18 =	sld [smem:$0x3FD0];
	(tm) =	ssettm $0x1  }
0x92: {  	s4 =	sld [smem:$0x3FFB];
	_ =	sdelay $0x3  }
0x93: {  	_ =	strace s4  }
0x94: {  	s4 =	sld [smem:$0x3FFC];
	_ =	sdelay $0x3  }
0x95: {  	_ =	strace s4  }
0x96: {  	s4 =	sld [smem:$0x3FFD];
	_ =	sdelay $0x3  }
0x97: {  	_ =	strace s4  }
0x98: {  	_ =	strace $0x8FFFFFFF  }
0x99: {  	s19 =	sld [smem:$0x3FDB];
	_ =	sdelay $0x1  }
0x9a: {  	s5 =	simm.s32 $_scs_section_size  }
0x9b: {  	s6 =	simm.s32 $_size__tile_overlayer_lowered;
	s7 =	simm.s32 $_tile_overlayer_lowered  }
0x9c: {  	s22 =	simm.s32 $0x1BFF;
	s21 =	sshll.u32 s7, $0x1;
	s4 =	sadd.s32 s5, s19  }
0x9d: {  	s8 =	simm.s32 $0x0;
	s20 =	sshll.u32 s6, $0x1;
	s6 =	sadd.s32 s21, s4  }
0x9e: {  	[timem:s8], [sflag:s22] =	dma.local [hbm:s6], s20  }
0x9f: {  	_ =	swait.ge [sflag:s22], s20  }
0xa0: {  	s5 =	ssub.s32 $0x0, s20;
	[sflag:s22] =	ssyncset.done $0x0  }
0xa1: {  	[sflag:s22] =	ssyncadd.s32 s5;
	_ =	sdelay $0x1  }
0xa2: {  	s23 =	simm.s32 $0x1B8B  }
0xa3: {  	_ =	swait.ge [sflag:s23], $0x1  }
0xa4: {  	[sflag:s23] =	ssyncset.done $0x0  }
0xa5: {  	s25 =	simm.s32 $0x1B8E;
	s24 =	sld [smem:$0x3FFE];
	[sflag:s23] =	ssyncadd.s32 $0xFFFFFFFF  }
0xa6: {  	s26 =	simm.s32 $execute0_lowered;
	[smem:$0x3FD2] =	sst s25  }
0xa7: {  	s6 =	sshll.u32 s26, $0x1;
	_ =	strace $0x80000046;
	[dreg:$0x1] =	wrdreg $0xFFFFFFFF  }
0xa8: {  	s28 =	simm.s32 $_size_execute0_lowered;
	s4 =	sadd.s32 s4, s6;
	[dreg:$0x0] =	wrdreg $0x0  }
0xa9: {  	s6 =	sshll.u32 s28, $0x1;
	[dreg:$0x2] =	wrdreg s4  }
0xaa: {  	[dreg:$0x3] =	wrdreg s6  }
0xab: {  	[dreg:$0x4] =	wrdreg $0xC0  }
0xac: {  	_ =	task [dreg:s8], $0x5FFFF  }
0xad: {  	[dreg:$0x1] =	wrdreg $0xFFFFFFFF  }
0xae: {  	[dreg:$0x0] =	wrdreg $0x60  }
0xaf: {  	[dreg:$0x2] =	wrdreg s24  }
0xb0: {  	[dreg:$0x3] =	wrdreg s2  }
0xb1: {  	[dreg:$0x4] =	wrdreg s18  }
0xb2: {  	[dreg:$0x5] =	wrdreg $0x9  }
0xb3: {  	_ =	task.clear_ibuf [dreg:s8], $0x6FFFF;
	_ =	strace $0x90000046  }
0xb4: {  	s29 =	simm.s32 $0x9;
	_ =	strace $0x80000048  }
0xb5: {  	_ =	swait.ge [sflag:s29], $0x1  }
0xb6: {  	[sflag:s29] =	ssyncadd.s32 $0xFFFFFFFF  }
0xb7: {  	_ =	strace $0x90000048  }
0xb8: {  	_ =	sfence  }
0xb9: {  	s30 =	sld [smem:$0x0];
	_ =	sdelay $0x2  }
0xba: {  	s31 =	sshll.u32 s1, $0xD;
	s1 =	sshrl.u32 s1, $0x2  }
0xbb: {  	s3 =	sand.u32 $0x4000, s31;
	s1 =	sadd.s32 s1, s30  }
0xbc: {  	s0 =	sor.u32 s3, s0;
	s1 =	sshll.u32 s1, $0x11  }
0xbd: {  	s0 =	sor.u32 s1, s0  }
0xbe: {  	s0 =	sadd.s32 $0x8F2B, s0  }
0xbf: {  	[sflag:s0] =	ssyncadd.remote.s32 $0x1  }
0xc0: {  	_ =	sfence.sel $0xFFFF  }
0xc1: {  	[dreg:$0x0] =	wrdreg $0xFFFFFFFF;
	(pc) =	sbr.abs _section_cstart, $3  }
0xc2: {  	[dreg:$0x1] =	wrdreg $0xFFFFFFFF  }
0xc3: {  	_ =	task.clear_ibuf [dreg:s8], $0x2FFFF;
	_ =	strace $0x9FFFFFFF  }
0xc4: {  	(tm) =	ssettm $0x7FFFFFFF  }
0xc5: {  	_ =	shalt  }
tec
execute0_lowered:
.L_overlay_start_1:
0x0: {  	(tag) =	ssettag $0x1  }
0x1: {  	s0 =	rddreg [dreg:$0x0]  }
0x2: {  	s1 =	rddreg [dreg:$0x1]  }
0x3: {  	s2 =	rddreg [dreg:$0x2]  }
0x4: {  	s4 =	srdreg.scid;
	s3 =	simm.s32 $0x0;
	s8 =	stileid.u32  }
0x5: {  	s12 =	simm.s32 $0x80;
	s28 =	simm.s32 $0x7;
	s29 =	simm.s32 $0x4  }
0x6: {  	s30 =	simm.s32 $0x8;
	s31 =	simm.s32 $0x5;
	s15 =	simm.s32 $0x0  }
0x7: {  	s4 =	sand.u32 $0x1, s4;
	[smem:$0x7FF] =	sst s3;
	s5 =	sshll.u32 s8, $0x5  }
0x8: {  	s8 =	sshll.u32 s8, $0xF;
	s6 =	sshll.u32 s4, $0x4;
	_ =	strace $0x80000047  }
0x9: {  	s16 =	ssub.s32 $0x2, s4;
	s4 =	sshll.u32 s4, $0xE;
	s5 =	sor.u32 s6, s5  }
0xa: {  	s7 =	sshrl.u32 s16, $0x1;
	s4 =	sor.u32 s4, s8;
	s0 =	sadd.s32 s5, s0  }
0xb: {  	s17 =	ssub.s32 s16, s7;
	s19 =	sor.u32 $0x100000, s4;
	s20 =	sor.u32 $0x80000, s4  }
0xc: {  	s24 =	sshrl.u32 s4, $0x3;
	s25 =	sor.u32 $0x200000, s4;
	s4 =	sor.u32 $0x180000, s4  }
0xd: {  	s16 =	simm.s32 $0x1C00;
	s18 =	sadd.s32 $0x400, s0;
	s0 =	sadd.s32 $0xA00, s0  }
0xe: {  	s21 =	sshrl.u32 s19, $0x3;
	s22 =	sshrl.u32 s20, $0x3;
	s5 =	smax.u32 s17, $0x1  }
0xf: {  	s26 =	sshrl.u32 s25, $0x3;
	s4 =	sshrl.u32 s4, $0x3;
	[dreg:$0x4] =	wrdreg s18  }
0x10: {  	s17 =	simm.s32 $0x5C00;
	s19 =	simm.s32 $0x9C00;
	[dreg:$0x5] =	wrdreg s0  }
0x11: {  	s25 =	simm.s32 $0x6;
	[dreg:$0x6] =	wrdreg s5;
	s0 =	sadd.s32 s21, s2  }
0x12: {  	s23 =	sadd.s32 s22, s2;
	s11 =	sadd.s32 s4, s2;
	[dreg:$0x7] =	wrdreg s0  }
0x13: {  	s21 =	simm.s32 $0xDC00;
	s22 =	simm.s32 $0x1;
	[dreg:$0x8] =	wrdreg s23  }
0x14: {  	s0 =	sadd.s32 s24, s2;
	s23 =	simm.s32 $0x11C00;
	s24 =	simm.s32 $0x2  }
0x15: {  	[dreg:$0x9] =	wrdreg s0;
	s0 =	sadd.s32 s26, s2;
	s26 =	simm.s32 $0x3  }
.LBB2_1:
0x16: {  	s2 =	rddreg [dreg:$0x4];
	s4 =	simm.s32 $0x1000;
	s18 =	simm.s32 $0xC  }
0x17: {  	[tilespmem:s3], [sflag:$0xC] =	stream.strided.gather [hbm4b:s2+s12], $0x180, s4, s12, $0x38;
	[tilespmem:$0x15C00] =	vst v63  }
0x18: {  	_ =	swait.ge [sflag:s18], $0x180  }
0x19: {  	[sflag:s18] =	ssyncset.done $0x0  }
0x1a: {  	s5 =	simm.s32 $0x180;
	s20 =	rddreg [dreg:$0x5];
	[sflag:s18] =	ssyncadd.s32 $0xFFFFFE80  }
0x1b: {  	[tilespmem:s5], [sflag:$0xB] =	stream.strided.gather [hbm4b:s20+s12], $0x1780, s4, s12, $0x38;
	[tilespmem:$0x15C00] =	vst v63  }
0x1c: {  	_ = 	snop  }
0x1d: {  	[tilespmem:s16], [sflag:$0x1] =	stream.indirect.gather [hbm4b:s1+s12], $0x80, s3, s12, $0xb8;
	[tilespmem:$0x15C00] =	vst v63  }
0x1e: {  	_ = 	snop  }
0x1f: {  	[tilespmem:s17], [sflag:$0x2] =	stream.indirect.gather [hbm4b:s1+s12], $0x80, s12, s12, $0xb8;
	[tilespmem:$0x15C00] =	vst v63  }
0x20: {  	s4 =	simm.s32 $0x100;
	s5 =	simm.s32 $0xB  }
0x21: {  	[tilespmem:s19], [sflag:$0x3] =	stream.indirect.gather [hbm4b:s1+s12], $0x80, s4, s12, $0xb8;
	[tilespmem:$0x15C00] =	vst v63  }
0x22: {  	_ =	swait.ge [sflag:s5], $0x1780  }
0x23: {  	p0 =	por $0x1, $0x1;
	[sflag:s5] =	ssyncset.done $0x0  }
0x24: {  	s4 =	simm.s32 @!p0 $0x9;
	[sflag:s5] =	ssyncadd.s32 $0xFFFFE880  }
0x25: {  	_ =	swait.ge @!p0 [sflag:s4], $0x4000  }
0x26: {  	[sflag:s4] =	ssyncset.done @!p0 $0x0  }
0x27: {  	s6 =	simm.s32 $0x180;
	[sflag:s4] =	ssyncadd.s32 @!p0 $0xFFFFC000  }
0x28: {  	[tilespmem:s21], [sflag:$0x4] =	stream.indirect.gather [hbm4b:s1+s12], $0x80, s6, s12, $0xb8;
	[tilespmem:$0x15C00] =	vst v63  }
0x29: {  	_ =	swait.ge [sflag:s22], $0x4000  }
0x2a: {  	[sflag:s22] =	ssyncset.done $0x0  }
0x2b: {  	s4 =	simm.s32 @!p0 $0xA;
	s8 =	rddreg [dreg:$0x9];
	[sflag:s22] =	ssyncadd.s32 $0xFFFFC000  }
0x2c: {  	[hbm4b:s8+s3] =	stream.linear.scatter [tilespmem:s16], [sflag:$0x6], $0x4000, $0x38;
	[tilespmem:$0x15C00] =	vst v63  }
0x2d: {  	_ =	swait.ge @!p0 [sflag:s4], $0x4000  }
0x2e: {  	[sflag:s4] =	ssyncset.done @!p0 $0x0  }
0x2f: {  	s7 =	simm.s32 $0x200;
	[sflag:s4] =	ssyncadd.s32 @!p0 $0xFFFFC000  }
0x30: {  	[tilespmem:s23], [sflag:$0x5] =	stream.indirect.gather [hbm4b:s1+s12], $0x80, s7, s12, $0xb8;
	[tilespmem:$0x15C00] =	vst v63  }
0x31: {  	_ =	swait.ge [sflag:s24], $0x4000  }
0x32: {  	[sflag:s24] =	ssyncset.done $0x0  }
0x33: {  	s7 =	rddreg [dreg:$0x8];
	[sflag:s24] =	ssyncadd.s32 $0xFFFFC000  }
0x34: {  	[hbm4b:s7+s3] =	stream.linear.scatter [tilespmem:s17], [sflag:$0x7], $0x4000, $0x38;
	[tilespmem:$0x15C00] =	vst v63  }
0x35: {  	p0 =	por $0x0, $0x0;
	_ =	swait.ge [sflag:s25], $0x4000  }
0x36: {  	s4 =	simm.s32 @!p0 $0x1C00;
	[sflag:s25] =	ssyncset.done $0x0  }
0x37: {  	s5 =	simm.s32 @!p0 $0x280;
	s10 =	simm.s32 @!p0 $0x80;
	[sflag:s25] =	ssyncadd.s32 $0xFFFFC000  }
0x38: {  	[tilespmem:s4], [sflag:$0x1] =	stream.indirect.gather @!p0 [hbm4b:s1+s10], $0x80, s5, s10, $0xb8;
	[tilespmem:$0x15C00] =	vst v63  }
0x39: {  	_ =	swait.ge [sflag:s26], $0x4000  }
0x3a: {  	[sflag:s26] =	ssyncset.done $0x0  }
0x3b: {  	s9 =	rddreg [dreg:$0x7];
	[sflag:s26] =	ssyncadd.s32 $0xFFFFC000  }
0x3c: {  	[hbm4b:s9+s3] =	stream.linear.scatter [tilespmem:s19], [sflag:$0x8], $0x4000, $0x38;
	[tilespmem:$0x15C00] =	vst v63  }
0x3d: {  	_ =	swait.ge [sflag:s28], $0x4000  }
0x3e: {  	[sflag:s28] =	ssyncset.done $0x0  }
0x3f: {  	s4 =	simm.s32 @!p0 $0x300;
	s5 =	simm.s32 @!p0 $0x5C00;
	[sflag:s28] =	ssyncadd.s32 $0xFFFFC000  }
0x40: {  	[tilespmem:s5], [sflag:$0x2] =	stream.indirect.gather @!p0 [hbm4b:s1+s10], $0x80, s4, s10, $0xb8;
	[tilespmem:$0x15C00] =	vst v63  }
0x41: {  	_ =	swait.ge [sflag:s29], $0x4000  }
0x42: {  	[sflag:s29] =	ssyncset.done $0x0  }
0x43: {  	p1 =	por $0x0, $0x0;
	[sflag:s29] =	ssyncadd.s32 $0xFFFFC000  }
0x44: {  	[hbm4b:s11+s3] =	stream.linear.scatter [tilespmem:s21], [sflag:$0x9], $0x4000, $0x38;
	[tilespmem:$0x15C00] =	vst v63  }
0x45: {  	s18 =	sadd.s32 $0x50000, s0;
	s20 =	simm.s32 $0x1400;
	_ =	swait.ge [sflag:s30], $0x4000  }
0x46: {  	s6 =	simm.s32 $0xA00;
	s14 =	sadd.s32 $0x50000, s8;
	[sflag:s30] =	ssyncset.done $0x0  }
0x47: {  	s13 =	simm.s32 @!p0 $0x9C00;
	s5 =	simm.s32 @!p0 $0x380;
	[sflag:s30] =	ssyncadd.s32 $0xFFFFC000  }
0x48: {  	[tilespmem:s13], [sflag:$0x3] =	stream.indirect.gather @!p0 [hbm4b:s1+s10], $0x80, s5, s10, $0xb8;
	[tilespmem:$0x15C00] =	vst v63  }
0x49: {  	s4 =	sadd.s32 $0x50000, s11;
	s13 =	sadd.s32 $0x50000, s7;
	_ =	swait.ge [sflag:s31], $0x4000  }
0x4a: {  	s5 =	sadd.s32 $0x50000, s9;
	s10 =	smov.u32 s0;
	[sflag:s31] =	ssyncset.done $0x0  }
.LBB2_2:
0x4b: {  	s2 =	simm.s32 @!p1 $0x9  }
0x4c: {  	[sflag:s31] =	ssyncadd.s32 $0xFFFFC000;
	s7 =	smov.u32 s20;
	s20 =	sadd.s32 $0xA00, s20  }
0x4d: {  	[hbm4b:s10+s3] =	stream.linear.scatter [tilespmem:s23], [sflag:$0xA], $0x4000, $0x38;
	[tilespmem:$0x15C00] =	vst v63  }
0x4e: {  	p0 =	sne.s32 s20, $0x6400;
	s10 =	smov.u32 s18;
	_ =	swait.ge @!p1 [sflag:s2], $0x4000  }
0x4f: {  	s8 =	sshra.s32 s6, $0x2;
	[sflag:s2] =	ssyncset.done @!p1 $0x0  }
0x50: {  	[sflag:s2] =	ssyncadd.s32 @!p1 $0xFFFFC000;
	s2 =	sadd.s32 $0x180, s8  }
0x51: {  	[tilespmem:s21], [sflag:$0x4] =	stream.indirect.gather [hbm4b:s1+s12], $0x80, s2, s12, $0xb8;
	[tilespmem:$0x15C00] =	vst v63  }
0x52: {  	_ =	swait.ge [sflag:s22], $0x4000  }
0x53: {  	[sflag:s22] =	ssyncset.done $0x0  }
0x54: {  	s2 =	simm.s32 @!p1 $0xA;
	[sflag:s22] =	ssyncadd.s32 $0xFFFFC000  }
0x55: {  	[hbm4b:s14+s3] =	stream.linear.scatter [tilespmem:s16], [sflag:$0x6], $0x4000, $0x38;
	[tilespmem:$0x15C00] =	vst v63  }
0x56: {  	_ =	swait.ge @!p1 [sflag:s2], $0x4000  }
0x57: {  	[sflag:s2] =	ssyncset.done @!p1 $0x0  }
0x58: {  	[sflag:s2] =	ssyncadd.s32 @!p1 $0xFFFFC000;
	s2 =	sadd.s32 $0x200, s8  }
0x59: {  	[tilespmem:s23], [sflag:$0x5] =	stream.indirect.gather [hbm4b:s1+s12], $0x80, s2, s12, $0xb8;
	[tilespmem:$0x15C00] =	vst v63  }
0x5a: {  	_ =	swait.ge [sflag:s24], $0x4000  }
0x5b: {  	[sflag:s24] =	ssyncset.done $0x0  }
0x5c: {  	[sflag:s24] =	ssyncadd.s32 $0xFFFFC000  }
0x5d: {  	[hbm4b:s13+s3] =	stream.linear.scatter [tilespmem:s17], [sflag:$0x7], $0x4000, $0x38;
	[tilespmem:$0x15C00] =	vst v63  }
0x5e: {  	p1 =	seq.s32 s6, $0x5A00;
	_ =	swait.ge [sflag:s25], $0x4000  }
0x5f: {  	s2 =	sshra.s32 @!p1 s6, $0x2;
	s6 =	simm.s32 @!p1 $0x1C00;
	[sflag:s25] =	ssyncset.done $0x0  }
0x60: {  	s9 =	simm.s32 @!p1 $0x80;
	s8 =	sadd.s32 @!p1 $0x280, s2;
	[sflag:s25] =	ssyncadd.s32 $0xFFFFC000  }
0x61: {  	[tilespmem:s6], [sflag:$0x1] =	stream.indirect.gather @!p1 [hbm4b:s1+s9], $0x80, s8, s9, $0xb8;
	[tilespmem:$0x15C00] =	vst v63  }
0x62: {  	s8 =	sadd.s32 @!p1 $0x300, s2;
	s2 =	sadd.s32 @!p1 $0x380, s2;
	_ =	swait.ge [sflag:s26], $0x4000  }
0x63: {  	s6 =	smov.u32 s7;
	[sflag:s26] =	ssyncset.done $0x0  }
0x64: {  	[sflag:s26] =	ssyncadd.s32 $0xFFFFC000  }
0x65: {  	[hbm4b:s5+s3] =	stream.linear.scatter [tilespmem:s19], [sflag:$0x8], $0x4000, $0x38;
	[tilespmem:$0x15C00] =	vst v63  }
0x66: {  	_ =	swait.ge [sflag:s28], $0x4000  }
0x67: {  	[sflag:s28] =	ssyncset.done $0x0  }
0x68: {  	s7 =	simm.s32 @!p1 $0x5C00;
	[sflag:s28] =	ssyncadd.s32 $0xFFFFC000  }
0x69: {  	[tilespmem:s7], [sflag:$0x2] =	stream.indirect.gather @!p1 [hbm4b:s1+s9], $0x80, s8, s9, $0xb8;
	[tilespmem:$0x15C00] =	vst v63  }
0x6a: {  	_ =	swait.ge [sflag:s29], $0x4000  }
0x6b: {  	[sflag:s29] =	ssyncset.done $0x0  }
0x6c: {  	[sflag:s29] =	ssyncadd.s32 $0xFFFFC000  }
0x6d: {  	[hbm4b:s4+s3] =	stream.linear.scatter [tilespmem:s21], [sflag:$0x9], $0x4000, $0x38;
	[tilespmem:$0x15C00] =	vst v63  }
0x6e: {  	_ =	swait.ge [sflag:s30], $0x4000  }
.Ltmp0:
0x6f: {  	s4 =	sadd.s32 $0x50000, s4;
	[sflag:s30] =	ssyncset.done $0x0;
	(pc) =	sbr.rel @p0 .LBB2_2-.Ltmp0, $4  }
0x70: {  	s18 =	sadd.s32 $0x50000, s18;
	s7 =	simm.s32 @!p1 $0x9C00;
	[sflag:s30] =	ssyncadd.s32 $0xFFFFC000  }
0x71: {  	[tilespmem:s7], [sflag:$0x3] =	stream.indirect.gather @!p1 [hbm4b:s1+s9], $0x80, s2, s9, $0xb8;
	[tilespmem:$0x15C00] =	vst v63  }
0x72: {  	s14 =	sadd.s32 $0x50000, s14;
	s13 =	sadd.s32 $0x50000, s13;
	_ =	swait.ge [sflag:s31], $0x4000  }
0x73: {  	s5 =	sadd.s32 $0x50000, s5;
	p1 =	seq.s32 s6, $0x0;
	[sflag:s31] =	ssyncset.done $0x0  }
0x74: {  	s2 =	simm.s32 @!p1 $0x9;
	[sflag:s31] =	ssyncadd.s32 $0xFFFFC000  }
0x75: {  	[hbm4b:s10+s3] =	stream.linear.scatter [tilespmem:s23], [sflag:$0xA], $0x4000, $0x38;
	[tilespmem:$0x15C00] =	vst v63  }
0x76: {  	_ =	swait.ge @!p1 [sflag:s2], $0x4000  }
0x77: {  	s7 =	sshra.s32 s6, $0x2;
	[sflag:s2] =	ssyncset.done @!p1 $0x0  }
0x78: {  	s9 =	sadd.s32 $0x180, s7;
	[sflag:s2] =	ssyncadd.s32 @!p1 $0xFFFFC000  }
0x79: {  	[tilespmem:s21], [sflag:$0x4] =	stream.indirect.gather [hbm4b:s1+s12], $0x80, s9, s12, $0xb8;
	[tilespmem:$0x15C00] =	vst v63  }
0x7a: {  	_ =	swait.ge [sflag:s22], $0x4000  }
0x7b: {  	[sflag:s22] =	ssyncset.done $0x0  }
0x7c: {  	s2 =	simm.s32 @!p1 $0xA;
	[sflag:s22] =	ssyncadd.s32 $0xFFFFC000  }
0x7d: {  	[hbm4b:s14+s3] =	stream.linear.scatter [tilespmem:s16], [sflag:$0x6], $0x4000, $0x38;
	[tilespmem:$0x15C00] =	vst v63  }
0x7e: {  	_ =	swait.ge @!p1 [sflag:s2], $0x4000  }
0x7f: {  	[sflag:s2] =	ssyncset.done @!p1 $0x0  }
0x80: {  	s10 =	sadd.s32 $0x200, s7;
	[sflag:s2] =	ssyncadd.s32 @!p1 $0xFFFFC000  }
0x81: {  	[tilespmem:s23], [sflag:$0x5] =	stream.indirect.gather [hbm4b:s1+s12], $0x80, s10, s12, $0xb8;
	[tilespmem:$0x15C00] =	vst v63  }
0x82: {  	_ =	swait.ge [sflag:s24], $0x4000  }
0x83: {  	[sflag:s24] =	ssyncset.done $0x0  }
0x84: {  	[sflag:s24] =	ssyncadd.s32 $0xFFFFC000  }
0x85: {  	[hbm4b:s13+s3] =	stream.linear.scatter [tilespmem:s17], [sflag:$0x7], $0x4000, $0x38;
	[tilespmem:$0x15C00] =	vst v63  }
0x86: {  	p0 =	seq.s32 s6, $0x5A00;
	_ =	swait.ge [sflag:s25], $0x4000  }
0x87: {  	s8 =	simm.s32 @!p0 $0x80;
	s2 =	sshra.s32 @!p0 s6, $0x2;
	[sflag:s25] =	ssyncset.done $0x0  }
0x88: {  	s6 =	simm.s32 @!p0 $0x1C00;
	s7 =	sadd.s32 @!p0 $0x280, s2;
	[sflag:s25] =	ssyncadd.s32 $0xFFFFC000  }
0x89: {  	[tilespmem:s6], [sflag:$0x1] =	stream.indirect.gather @!p0 [hbm4b:s1+s8], $0x80, s7, s8, $0xb8;
	[tilespmem:$0x15C00] =	vst v63  }
0x8a: {  	_ =	swait.ge [sflag:s26], $0x4000  }
0x8b: {  	[sflag:s26] =	ssyncset.done $0x0  }
0x8c: {  	[sflag:s26] =	ssyncadd.s32 $0xFFFFC000  }
0x8d: {  	[hbm4b:s5+s3] =	stream.linear.scatter [tilespmem:s19], [sflag:$0x8], $0x4000, $0x38;
	[tilespmem:$0x15C00] =	vst v63  }
0x8e: {  	_ =	swait.ge [sflag:s28], $0x4000  }
0x8f: {  	[sflag:s28] =	ssyncset.done $0x0  }
0x90: {  	s6 =	simm.s32 @!p0 $0x5C00;
	s5 =	sadd.s32 @!p0 $0x300, s2;
	[sflag:s28] =	ssyncadd.s32 $0xFFFFC000  }
0x91: {  	[tilespmem:s6], [sflag:$0x2] =	stream.indirect.gather @!p0 [hbm4b:s1+s8], $0x80, s5, s8, $0xb8;
	[tilespmem:$0x15C00] =	vst v63  }
0x92: {  	_ =	swait.ge [sflag:s29], $0x4000  }
0x93: {  	[sflag:s29] =	ssyncset.done $0x0  }
0x94: {  	[sflag:s29] =	ssyncadd.s32 $0xFFFFC000  }
0x95: {  	[hbm4b:s4+s3] =	stream.linear.scatter [tilespmem:s21], [sflag:$0x9], $0x4000, $0x38;
	[tilespmem:$0x15C00] =	vst v63  }
0x96: {  	_ =	swait.ge [sflag:s30], $0x4000  }
0x97: {  	[sflag:s30] =	ssyncset.done $0x0  }
0x98: {  	s2 =	sadd.s32 @!p0 $0x380, s2;
	s4 =	simm.s32 @!p0 $0x9C00;
	[sflag:s30] =	ssyncadd.s32 $0xFFFFC000  }
0x99: {  	[tilespmem:s4], [sflag:$0x3] =	stream.indirect.gather @!p0 [hbm4b:s1+s8], $0x80, s2, s8, $0xb8;
	[tilespmem:$0x15C00] =	vst v63  }
0x9a: {  	_ =	swait.ge [sflag:s31], $0x4000  }
0x9b: {  	[sflag:s31] =	ssyncset.done $0x0  }
0x9c: {  	s14 =	simm.s32 $0x9;
	[sflag:s31] =	ssyncadd.s32 $0xFFFFC000  }
0x9d: {  	[hbm4b:s18+s3] =	stream.linear.scatter [tilespmem:s23], [sflag:$0xA], $0x4000, $0x38;
	[tilespmem:$0x15C00] =	vst v63  }
0x9e: {  	_ =	swait.ge [sflag:s14], $0x4000  }
0x9f: {  	[sflag:s14] =	ssyncset.done $0x0  }
0xa0: {  	s18 =	simm.s32 $0xA;
	[sflag:s14] =	ssyncadd.s32 $0xFFFFC000  }
0xa1: {  	_ =	swait.ge [sflag:s18], $0x4000  }
0xa2: {  	s15 =	sadd.s32 $0x1, s15;
	s20 =	rddreg [dreg:$0x6]  }
0xa3: {  	p0 =	sne.s32 s15, s20  }
.Ltmp1:
0xa4: {  	_ = 	snop;
	(pc) =	sbr.rel @p0 .LBB2_1-.Ltmp1, $3  }
0xa5: {  	_ =	sdelay $0x1  }
0xa6: {  	[sflag:s18] =	ssyncset.done $0x0  }
0xa7: {  	[sflag:s18] =	ssyncadd.s32 $0xFFFFC000  }
0xa8: {  	_ =	sfence.sel $0x180000  }
0xa9: {  	[bflag:$0x0] =	sbarrier.arrive $0xFFFF  }
0xaa: {  	_ =	strace $0x90000047  }
0xab: {  	s0 =	stileid.u32;
	[bflag:$0x2] =	sbarrier.arrive $0xFFFF  }
0xac: {  	p0 =	sne.s32 s0, $0x0;
	s0 =	rddreg [dreg:$0x3]  }
0xad: {  	s0 =	sadd.s32 @!p0 $0x100000, s0  }
0xae: {  	[sflag:s0] =	ssyncadd.tile.s32 @!p0 $0x1;
	_ =	shalt  }
.Lfunc_end2:
_tile_overlayer_lowered:
.L_overlay_start_2:
0xaf: {  	(tag) =	ssettag $0x2  }
0xb0: {  	s0 =	rddreg [dreg:$0x0];
	s2 =	stileid.u32  }
0xb1: {  	s1 =	rddreg [dreg:$0x1];
	p0 =	sne.s32 s2, $0x0  }
0xb2: {  	s3 =	rddreg [dreg:$0x2];
	[bflag:$0x3] =	sbarrier.arrive $0xFFFF;
	s2 =	simm.s32 @!p0 $0x1C0C  }
0xb3: {  	[timem:s3], [sflag:s2] =	dma.local @!p0 [hbm:s0], s1  }
0xb4: {  	s0 =	simm.s32 @!p0 $0xC  }
0xb5: {  	_ =	swait.ge @!p0 [sflag:s0], s1  }
0xb6: {  	s1 =	ssub.s32 @!p0 $0x0, s1;
	[sflag:s0] =	ssyncset.done @!p0 $0x0  }
0xb7: {  	[sflag:s0] =	ssyncadd.s32 @!p0 s1  }
0xb8: {  	[bflag:$0x3] =	sbarrier.arrive $0xFFFF  }
0xb9: {  	_ =	shalt  }

</sc_bundles>
